<compile_context>
chip_gen: v7x
topology: tpu7x:2x2x1
jax: 0.10.2.dev20260603
libtpu: 0.0.44.dev20260713+nightly
codegen_flags: <defaults>
</compile_context>

<pallas_src>
import functools

import jax
import jax.numpy as jnp
from jax import lax
from jax.experimental import pallas as pl
from jax.experimental.pallas import tpu as pltpu
from jax.experimental.pallas import tpu_sc as plsc

B = 16384
L = 200
VOCAB = 769
NC = 2
NS = 16
NW = NC * NS
BPW = B // NW
CC = 128
NCH = BPW // CC
GRP = 16
NGROUPS = CC // GRP
NACC = 8


def _pst_kernel(xt_hbm, tab_hbm, out_hbm, tab_v, xb_v, out_v, sem0, sem1):
    wid = lax.axis_index("s") * NC + lax.axis_index("c")
    col0 = wid * BPW

    sems = (sem0, sem1)
    for c in range(min(2, NCH)):
        pltpu.async_copy(
            xt_hbm.at[:, pl.ds(col0 + c * CC, CC)], xb_v.at[c], sems[c]
        )
    pltpu.sync_copy(tab_hbm, tab_v)

    zero = jnp.zeros((GRP,), jnp.float32)

    def chunk_compute(c_dyn, b):

        def group_body(g16, _, b=b):
            cbase = g16 * GRP

            @plsc.parallel_loop(0, L, NACC, unroll=2, carry=(zero,) * NACC)
            def l_loop(l, accs, b=b, cbase=cbase):
                new = []
                for k in range(NACC):
                    idx = xb_v[b, l + k, pl.ds(cbase, GRP)]
                    new.append(accs[k] + plsc.load_gather(tab_v, [idx]))
                return tuple(new)

            accs = list(l_loop)
            while len(accs) > 1:
                accs = [a + b2 for a, b2 in zip(accs[::2], accs[1::2])]
            out_v[pl.ds(c_dyn * CC + cbase, GRP)] = accs[0]
            return _

        lax.fori_loop(0, NGROUPS, group_body, None)

    def pair_body(p, _):
        for b in range(2):
            c_dyn = 2 * p + b
            pltpu.make_async_copy(
                xt_hbm.at[:, pl.ds(col0 + c_dyn * CC, CC)], xb_v.at[b], sems[b]
            ).wait()
            chunk_compute(c_dyn, b)

            @pl.when(c_dyn + 2 < NCH)
            def _fire(b=b, c_dyn=c_dyn):
                pltpu.async_copy(
                    xt_hbm.at[:, pl.ds(col0 + (c_dyn + 2) * CC, CC)],
                    xb_v.at[b],
                    sems[b],
                )

        return _

    lax.fori_loop(0, NCH // 2, pair_body, None)

    pltpu.sync_copy(out_v, out_hbm.at[pl.ds(col0, BPW)])


@jax.jit
def _pst_sum(xt, tab_flat):
    mesh = plsc.VectorSubcoreMesh(core_axis_name="c", subcore_axis_name="s")
    f = pl.kernel(
        _pst_kernel,
        out_type=jax.ShapeDtypeStruct((B,), jnp.float32),
        mesh=mesh,
        scratch_types=[
            pltpu.VMEM((VOCAB,), jnp.float32),
            pltpu.VMEM((2, L, CC), jnp.int32),
            pltpu.VMEM((BPW,), jnp.float32),
            pltpu.SemaphoreType.DMA,
            pltpu.SemaphoreType.DMA,
        ],
        compiler_params=pltpu.CompilerParams(needs_layout_passes=False),
    )
    return f(xt, tab_flat)


def kernel(x, pst_weight, emb_weight):
    xt = x.astype(jnp.int32).T
    return _pst_sum(xt, pst_weight.reshape(-1))

# --- scband reference (transcript-rebuilt; emitter-appended) ---
"""Pipeline reference for scband-pst2-77902116815319 (READ-ONLY COPY).

The authoritative reference and input builder live on the scoring server;
editing this copy changes nothing except your own understanding.
"""

import jax, jax.numpy as jnp
import numpy as np

VOCAB = 12 * 64 + 1  # 769
DIM_EMBEDDING = 2048
K_MAX_ONES = 200  # stand-in for kMaxNumOnesInInput (init-time scale only)

def setup_inputs(seed: int = 0) -> dict:
    key = jax.random.key(seed)
    k1, k2, k3 = jax.random.split(key, 3)
    x = jax.random.randint(k1, (16384, 200), 0, VOCAB, dtype=jnp.int64 if jax.config.jax_enable_x64 else jnp.int32)
    pst_weight = jax.random.normal(k2, (VOCAB, 1), dtype=jnp.float32) * np.sqrt(1.0 / K_MAX_ONES)
    emb_weight = jax.random.normal(k3, (VOCAB, DIM_EMBEDDING), dtype=jnp.float32) * np.sqrt(1.0 / (K_MAX_ONES * DIM_EMBEDDING))
    return {"x": x, "pst_weight": pst_weight, "emb_weight": emb_weight}

def reference(x, pst_weight, emb_weight):
    # pst = self.pst(x).sum((1, 2)) ; the random branch (rand() < 1.0) is always taken,
    # so forward always returns pst and emb_weight is unused at runtime.
    xi = x.astype(jnp.int32)
    pst = jnp.take(pst_weight, xi, axis=0)  # [B, L, 1]
    pst = pst.sum(axis=(1, 2))              # [B]
    return pst

if __name__ == "__main__":
    import jax
    _d = setup_inputs()
    print(jax.jit(kernel)(*tuple(_d.values())))

</pallas_src>

<mosaic_0001>
#map = affine_map<(d0, d1) -> (0, 0)>
#map1 = affine_map<(d0, d1) -> (0)>
module attributes {stable_mosaic.version = 14 : i64} {
  func.func @_pst_kernel(%arg0: i32, %arg1: i32, %arg2: memref<200x16384xi32, #tpu.memory_space<hbm>>, %arg3: memref<769xf32, #tpu.memory_space<hbm>>, %arg4: memref<16384xf32, #tpu.memory_space<hbm>>, %arg5: memref<769xf32, #tpu.memory_space<vmem>>, %arg6: memref<2x200x128xi32, #tpu.memory_space<vmem>>, %arg7: memref<512xf32, #tpu.memory_space<vmem>>, %arg8: memref<!tpu.dma_semaphore, #tpu.memory_space<semaphore_mem>>, %arg9: memref<!tpu.dma_semaphore, #tpu.memory_space<semaphore_mem>>) attributes {dimension_semantics = [#tpu.dimension_semantics<core_parallel>, #tpu.dimension_semantics<subcore_parallel>], iteration_bounds = array<i64: 2, 16>, scalar_prefetch = 0 : i64, scratch_operands = 5 : i64, tpu.core_type = #tpu.core_type<sc_vector_subcore>, window_params = [{transform_indices = #map}, {transform_indices = #map1}, {transform_indices = #map1}]} {
    %mul3A = arith.constant 2 : i32
    %mul3A_0 = arith.muli %arg1, %mul3A : i32
    %add3A = arith.addi %mul3A_0, %arg0 : i32
    %mul3A_1 = arith.constant 512 : i32
    %mul3A_2 = arith.muli %add3A, %mul3A_1 : i32
    %add3A_3 = arith.constant 0 : i32
    %add3A_4 = arith.addi %mul3A_2, %add3A_3 : i32
    %dma_start3A = arith.constant 0 : i32
    %dma_start3A_5 = arith.constant 0 : i32
    %dma_start3A_6 = arith.constant 0 : i32
    %dma_start3A_7 = tpu.memref_slice %arg6[%dma_start3A, %dma_start3A_5, %dma_start3A_6] : memref<2x200x128xi32, #tpu.memory_space<vmem>> -> memref<1x200x128xi32, #tpu.memory_space<vmem>>
    %dma_start3A_8 = tpu.memref_squeeze %dma_start3A_7 : memref<1x200x128xi32, #tpu.memory_space<vmem>> -> memref<200x128xi32, #tpu.memory_space<vmem>>
    %dma_start3A_9 = arith.constant 0 : i32
    %dma_start3A_10 = tpu.memref_slice %arg2[%dma_start3A_9, %add3A_4] : memref<200x16384xi32, #tpu.memory_space<hbm>> -> memref<200x128xi32, #tpu.memory_space<hbm>>
    %dma_start3A_11 = arith.constant 0 : i32
    %dma_start3A_12 = arith.constant 0 : i32
    %dma_start3A_13 = tpu.memref_slice %arg6[%dma_start3A, %dma_start3A_11, %dma_start3A_12] : memref<2x200x128xi32, #tpu.memory_space<vmem>> -> memref<1x200x128xi32, #tpu.memory_space<vmem>>
    %dma_start3A_14 = tpu.memref_squeeze %dma_start3A_13 : memref<1x200x128xi32, #tpu.memory_space<vmem>> -> memref<200x128xi32, #tpu.memory_space<vmem>>
    %dma_start3A_15 = arith.constant 0 : i32
    %dma_start3A_16 = tpu.memref_slice %arg2[%dma_start3A_15, %add3A_4] : memref<200x16384xi32, #tpu.memory_space<hbm>> -> memref<200x128xi32, #tpu.memory_space<hbm>>
    tpu.enqueue_dma source(%dma_start3A_16 : memref<200x128xi32, #tpu.memory_space<hbm>>) target(%dma_start3A_14 : memref<200x128xi32, #tpu.memory_space<vmem>>) target_semaphore(%arg8 : memref<!tpu.dma_semaphore, #tpu.memory_space<semaphore_mem>>)
    %add3A_17 = arith.constant 128 : i32
    %add3A_18 = arith.addi %mul3A_2, %add3A_17 : i32
    %dma_start3A_19 = arith.constant 1 : i32
    %dma_start3A_20 = arith.constant 0 : i32
    %dma_start3A_21 = arith.constant 0 : i32
    %dma_start3A_22 = tpu.memref_slice %arg6[%dma_start3A_19, %dma_start3A_20, %dma_start3A_21] : memref<2x200x128xi32, #tpu.memory_space<vmem>> -> memref<1x200x128xi32, #tpu.memory_space<vmem>>
    %dma_start3A_23 = tpu.memref_squeeze %dma_start3A_22 : memref<1x200x128xi32, #tpu.memory_space<vmem>> -> memref<200x128xi32, #tpu.memory_space<vmem>>
    %dma_start3A_24 = arith.constant 0 : i32
    %dma_start3A_25 = tpu.memref_slice %arg2[%dma_start3A_24, %add3A_18] : memref<200x16384xi32, #tpu.memory_space<hbm>> -> memref<200x128xi32, #tpu.memory_space<hbm>>
    %dma_start3A_26 = arith.constant 0 : i32
    %dma_start3A_27 = arith.constant 0 : i32
    %dma_start3A_28 = tpu.memref_slice %arg6[%dma_start3A_19, %dma_start3A_26, %dma_start3A_27] : memref<2x200x128xi32, #tpu.memory_space<vmem>> -> memref<1x200x128xi32, #tpu.memory_space<vmem>>
    %dma_start3A_29 = tpu.memref_squeeze %dma_start3A_28 : memref<1x200x128xi32, #tpu.memory_space<vmem>> -> memref<200x128xi32, #tpu.memory_space<vmem>>
    %dma_start3A_30 = arith.constant 0 : i32
    %dma_start3A_31 = tpu.memref_slice %arg2[%dma_start3A_30, %add3A_18] : memref<200x16384xi32, #tpu.memory_space<hbm>> -> memref<200x128xi32, #tpu.memory_space<hbm>>
    tpu.enqueue_dma source(%dma_start3A_31 : memref<200x128xi32, #tpu.memory_space<hbm>>) target(%dma_start3A_29 : memref<200x128xi32, #tpu.memory_space<vmem>>) target_semaphore(%arg9 : memref<!tpu.dma_semaphore, #tpu.memory_space<semaphore_mem>>)
    "tpu.region"() ({
      %run_scoped3A = tpu.sem_alloc : memref<!tpu.dma_semaphore, #tpu.memory_space<semaphore_mem>>
      tpu.enqueue_dma source(%arg3 : memref<769xf32, #tpu.memory_space<hbm>>) target(%arg5 : memref<769xf32, #tpu.memory_space<vmem>>) target_semaphore(%run_scoped3A : memref<!tpu.dma_semaphore, #tpu.memory_space<semaphore_mem>>)
      tpu.wait_dma2 semaphore(%run_scoped3A : memref<!tpu.dma_semaphore, #tpu.memory_space<semaphore_mem>>) src(%arg3 : memref<769xf32, #tpu.memory_space<hbm>>) dst(%arg5 : memref<769xf32, #tpu.memory_space<vmem>>)
      tpu.yield
    }) : () -> ()
    %broadcast_in_dim3A = arith.constant 0.000000e+00 : f32
    %broadcast_in_dim3A_32 = vector.broadcast %broadcast_in_dim3A : f32 to vector<16xf32>
    %scan3A = arith.constant 0 : i32
    %scan3A_33 = arith.constant 2 : i32
    %scan3A_34 = arith.addi %scan3A, %scan3A_33 : i32
    %scan3A_35 = arith.constant 1 : i32
    scf.for %scan3A_37 = %scan3A to %scan3A_34 step %scan3A_35  : i32 {
      %mul3A_38 = arith.constant 2 : i32
      %mul3A_39 = arith.muli %mul3A_38, %scan3A_37 : i32
      %add3A_40 = arith.constant 0 : i32
      %add3A_41 = arith.addi %mul3A_39, %add3A_40 : i32
      %mul3A_42 = arith.constant 128 : i32
      %mul3A_43 = arith.muli %add3A_41, %mul3A_42 : i32
      %add3A_44 = arith.addi %mul3A_2, %mul3A_43 : i32
      %dma_wait3A = arith.constant 0 : i32
      %dma_wait3A_45 = arith.constant 0 : i32
      %dma_wait3A_46 = arith.constant 0 : i32
      %dma_wait3A_47 = tpu.memref_slice %arg6[%dma_wait3A, %dma_wait3A_45, %dma_wait3A_46] : memref<2x200x128xi32, #tpu.memory_space<vmem>> -> memref<1x200x128xi32, #tpu.memory_space<vmem>>
      %dma_wait3A_48 = tpu.memref_squeeze %dma_wait3A_47 : memref<1x200x128xi32, #tpu.memory_space<vmem>> -> memref<200x128xi32, #tpu.memory_space<vmem>>
      %dma_wait3A_49 = arith.constant 0 : i32
      %dma_wait3A_50 = tpu.memref_slice %arg2[%dma_wait3A_49, %add3A_44] : memref<200x16384xi32, #tpu.memory_space<hbm>> -> memref<200x128xi32, #tpu.memory_space<hbm>>
      %dma_wait3A_51 = arith.constant 0 : i32
      %dma_wait3A_52 = arith.constant 0 : i32
      %dma_wait3A_53 = tpu.memref_slice %arg6[%dma_wait3A, %dma_wait3A_51, %dma_wait3A_52] : memref<2x200x128xi32, #tpu.memory_space<vmem>> -> memref<1x200x128xi32, #tpu.memory_space<vmem>>
      %dma_wait3A_54 = tpu.memref_squeeze %dma_wait3A_53 : memref<1x200x128xi32, #tpu.memory_space<vmem>> -> memref<200x128xi32, #tpu.memory_space<vmem>>
      %dma_wait3A_55 = arith.constant 0 : i32
      %dma_wait3A_56 = tpu.memref_slice %arg2[%dma_wait3A_55, %add3A_44] : memref<200x16384xi32, #tpu.memory_space<hbm>> -> memref<200x128xi32, #tpu.memory_space<hbm>>
      tpu.wait_dma2 semaphore(%arg8 : memref<!tpu.dma_semaphore, #tpu.memory_space<semaphore_mem>>) src(%dma_wait3A_56 : memref<200x128xi32, #tpu.memory_space<hbm>>) dst(%dma_wait3A_54 : memref<200x128xi32, #tpu.memory_space<vmem>>)
      %scan3A_57 = arith.constant 0 : i32
      %scan3A_58 = arith.constant 8 : i32
      %scan3A_59 = arith.addi %scan3A_57, %scan3A_58 : i32
      %scan3A_60 = arith.constant 1 : i32
      scf.for %scan3A_98 = %scan3A_57 to %scan3A_59 step %scan3A_60  : i32 {
        %mul3A_99 = arith.constant 16 : i32
        %mul3A_100 = arith.muli %scan3A_98, %mul3A_99 : i32
        %parallel_loop3A = arith.constant 0 : i32
        %parallel_loop3A_101 = arith.constant 200 : i32
        %parallel_loop3A_102 = arith.constant 8 : i32
        %parallel_loop3A_103:8 = scf.for %parallel_loop3A_115 = %parallel_loop3A to %parallel_loop3A_101 step %parallel_loop3A_102 iter_args(%parallel_loop3A_116 = %broadcast_in_dim3A_32, %parallel_loop3A_117 = %broadcast_in_dim3A_32, %parallel_loop3A_118 = %broadcast_in_dim3A_32, %parallel_loop3A_119 = %broadcast_in_dim3A_32, %parallel_loop3A_120 = %broadcast_in_dim3A_32, %parallel_loop3A_121 = %broadcast_in_dim3A_32, %parallel_loop3A_122 = %broadcast_in_dim3A_32, %parallel_loop3A_123 = %broadcast_in_dim3A_32) -> (vector<16xf32>, vector<16xf32>, vector<16xf32>, vector<16xf32>, vector<16xf32>, vector<16xf32>, vector<16xf32>, vector<16xf32>)  : i32 {
          %parallel_loop3A_124 = arith.constant 0 : i32
          %parallel_loop3A_125 = arith.addi %parallel_loop3A_115, %parallel_loop3A_124 : i32
          %parallel_loop3A_126 = arith.constant 0 : i32
          %parallel_loop3A_127 = arith.index_cast %parallel_loop3A_126 : i32 to index
          %parallel_loop3A_128 = arith.index_cast %parallel_loop3A_125 : i32 to index
          %parallel_loop3A_129 = arith.index_cast %mul3A_100 : i32 to index
          %parallel_loop3A_130 = tpu.vector_load %arg6[%parallel_loop3A_127, %parallel_loop3A_128, %parallel_loop3A_129] {strides = array<i32>} : memref<2x200x128xi32, #tpu.memory_space<vmem>>, vector<16xi32>,
          %parallel_loop3A_131 = tpu.vector_load_idx %arg5[%parallel_loop3A_130] : memref<769xf32, #tpu.memory_space<vmem>>[vector<16xi32>], vector<16xf32>,
          %parallel_loop3A_132 = arith.addf %parallel_loop3A_116, %parallel_loop3A_131 : vector<16xf32>
          %parallel_loop3A_133 = arith.constant 1 : i32
          %parallel_loop3A_134 = arith.addi %parallel_loop3A_115, %parallel_loop3A_133 : i32
          %parallel_loop3A_135 = arith.constant 0 : i32
          %parallel_loop3A_136 = arith.index_cast %parallel_loop3A_135 : i32 to index
          %parallel_loop3A_137 = arith.index_cast %parallel_loop3A_134 : i32 to index
          %parallel_loop3A_138 = arith.index_cast %mul3A_100 : i32 to index
          %parallel_loop3A_139 = tpu.vector_load %arg6[%parallel_loop3A_136, %parallel_loop3A_137, %parallel_loop3A_138] {strides = array<i32>} : memref<2x200x128xi32, #tpu.memory_space<vmem>>, vector<16xi32>,
          %parallel_loop3A_140 = tpu.vector_load_idx %arg5[%parallel_loop3A_139] : memref<769xf32, #tpu.memory_space<vmem>>[vector<16xi32>], vector<16xf32>,
          %parallel_loop3A_141 = arith.addf %parallel_loop3A_117, %parallel_loop3A_140 : vector<16xf32>
          %parallel_loop3A_142 = arith.constant 2 : i32
          %parallel_loop3A_143 = arith.addi %parallel_loop3A_115, %parallel_loop3A_142 : i32
          %parallel_loop3A_144 = arith.constant 0 : i32
          %parallel_loop3A_145 = arith.index_cast %parallel_loop3A_144 : i32 to index
          %parallel_loop3A_146 = arith.index_cast %parallel_loop3A_143 : i32 to index
          %parallel_loop3A_147 = arith.index_cast %mul3A_100 : i32 to index
          %parallel_loop3A_148 = tpu.vector_load %arg6[%parallel_loop3A_145, %parallel_loop3A_146, %parallel_loop3A_147] {strides = array<i32>} : memref<2x200x128xi32, #tpu.memory_space<vmem>>, vector<16xi32>,
          %parallel_loop3A_149 = tpu.vector_load_idx %arg5[%parallel_loop3A_148] : memref<769xf32, #tpu.memory_space<vmem>>[vector<16xi32>], vector<16xf32>,
          %parallel_loop3A_150 = arith.addf %parallel_loop3A_118, %parallel_loop3A_149 : vector<16xf32>
          %parallel_loop3A_151 = arith.constant 3 : i32
          %parallel_loop3A_152 = arith.addi %parallel_loop3A_115, %parallel_loop3A_151 : i32
          %parallel_loop3A_153 = arith.constant 0 : i32
          %parallel_loop3A_154 = arith.index_cast %parallel_loop3A_153 : i32 to index
          %parallel_loop3A_155 = arith.index_cast %parallel_loop3A_152 : i32 to index
          %parallel_loop3A_156 = arith.index_cast %mul3A_100 : i32 to index
          %parallel_loop3A_157 = tpu.vector_load %arg6[%parallel_loop3A_154, %parallel_loop3A_155, %parallel_loop3A_156] {strides = array<i32>} : memref<2x200x128xi32, #tpu.memory_space<vmem>>, vector<16xi32>,
          %parallel_loop3A_158 = tpu.vector_load_idx %arg5[%parallel_loop3A_157] : memref<769xf32, #tpu.memory_space<vmem>>[vector<16xi32>], vector<16xf32>,
          %parallel_loop3A_159 = arith.addf %parallel_loop3A_119, %parallel_loop3A_158 : vector<16xf32>
          %parallel_loop3A_160 = arith.constant 4 : i32
          %parallel_loop3A_161 = arith.addi %parallel_loop3A_115, %parallel_loop3A_160 : i32
          %parallel_loop3A_162 = arith.constant 0 : i32
          %parallel_loop3A_163 = arith.index_cast %parallel_loop3A_162 : i32 to index
          %parallel_loop3A_164 = arith.index_cast %parallel_loop3A_161 : i32 to index
          %parallel_loop3A_165 = arith.index_cast %mul3A_100 : i32 to index
          %parallel_loop3A_166 = tpu.vector_load %arg6[%parallel_loop3A_163, %parallel_loop3A_164, %parallel_loop3A_165] {strides = array<i32>} : memref<2x200x128xi32, #tpu.memory_space<vmem>>, vector<16xi32>,
          %parallel_loop3A_167 = tpu.vector_load_idx %arg5[%parallel_loop3A_166] : memref<769xf32, #tpu.memory_space<vmem>>[vector<16xi32>], vector<16xf32>,
          %parallel_loop3A_168 = arith.addf %parallel_loop3A_120, %parallel_loop3A_167 : vector<16xf32>
          %parallel_loop3A_169 = arith.constant 5 : i32
          %parallel_loop3A_170 = arith.addi %parallel_loop3A_115, %parallel_loop3A_169 : i32
          %parallel_loop3A_171 = arith.constant 0 : i32
          %parallel_loop3A_172 = arith.index_cast %parallel_loop3A_171 : i32 to index
          %parallel_loop3A_173 = arith.index_cast %parallel_loop3A_170 : i32 to index
          %parallel_loop3A_174 = arith.index_cast %mul3A_100 : i32 to index
          %parallel_loop3A_175 = tpu.vector_load %arg6[%parallel_loop3A_172, %parallel_loop3A_173, %parallel_loop3A_174] {strides = array<i32>} : memref<2x200x128xi32, #tpu.memory_space<vmem>>, vector<16xi32>,
          %parallel_loop3A_176 = tpu.vector_load_idx %arg5[%parallel_loop3A_175] : memref<769xf32, #tpu.memory_space<vmem>>[vector<16xi32>], vector<16xf32>,
          %parallel_loop3A_177 = arith.addf %parallel_loop3A_121, %parallel_loop3A_176 : vector<16xf32>
          %parallel_loop3A_178 = arith.constant 6 : i32
          %parallel_loop3A_179 = arith.addi %parallel_loop3A_115, %parallel_loop3A_178 : i32
          %parallel_loop3A_180 = arith.constant 0 : i32
          %parallel_loop3A_181 = arith.index_cast %parallel_loop3A_180 : i32 to index
          %parallel_loop3A_182 = arith.index_cast %parallel_loop3A_179 : i32 to index
          %parallel_loop3A_183 = arith.index_cast %mul3A_100 : i32 to index
          %parallel_loop3A_184 = tpu.vector_load %arg6[%parallel_loop3A_181, %parallel_loop3A_182, %parallel_loop3A_183] {strides = array<i32>} : memref<2x200x128xi32, #tpu.memory_space<vmem>>, vector<16xi32>,
          %parallel_loop3A_185 = tpu.vector_load_idx %arg5[%parallel_loop3A_184] : memref<769xf32, #tpu.memory_space<vmem>>[vector<16xi32>], vector<16xf32>,
          %parallel_loop3A_186 = arith.addf %parallel_loop3A_122, %parallel_loop3A_185 : vector<16xf32>
          %parallel_loop3A_187 = arith.constant 7 : i32
          %parallel_loop3A_188 = arith.addi %parallel_loop3A_115, %parallel_loop3A_187 : i32
          %parallel_loop3A_189 = arith.constant 0 : i32
          %parallel_loop3A_190 = arith.index_cast %parallel_loop3A_189 : i32 to index
          %parallel_loop3A_191 = arith.index_cast %parallel_loop3A_188 : i32 to index
          %parallel_loop3A_192 = arith.index_cast %mul3A_100 : i32 to index
          %parallel_loop3A_193 = tpu.vector_load %arg6[%parallel_loop3A_190, %parallel_loop3A_191, %parallel_loop3A_192] {strides = array<i32>} : memref<2x200x128xi32, #tpu.memory_space<vmem>>, vector<16xi32>,
          %parallel_loop3A_194 = tpu.vector_load_idx %arg5[%parallel_loop3A_193] : memref<769xf32, #tpu.memory_space<vmem>>[vector<16xi32>], vector<16xf32>,
          %parallel_loop3A_195 = arith.addf %parallel_loop3A_123, %parallel_loop3A_194 : vector<16xf32>
          scf.yield %parallel_loop3A_132, %parallel_loop3A_141, %parallel_loop3A_150, %parallel_loop3A_159, %parallel_loop3A_168, %parallel_loop3A_177, %parallel_loop3A_186, %parallel_loop3A_195 : vector<16xf32>, vector<16xf32>, vector<16xf32>, vector<16xf32>, vector<16xf32>, vector<16xf32>, vector<16xf32>, vector<16xf32>
        } {sc.loop_unroll_factor = 2 : i64, sc.parallel_access}
        %add3A_104 = arith.addf %parallel_loop3A_103#0, %parallel_loop3A_103#1 : vector<16xf32>
        %add3A_105 = arith.addf %parallel_loop3A_103#2, %parallel_loop3A_103#3 : vector<16xf32>
        %add3A_106 = arith.addf %parallel_loop3A_103#4, %parallel_loop3A_103#5 : vector<16xf32>
        %add3A_107 = arith.addf %parallel_loop3A_103#6, %parallel_loop3A_103#7 : vector<16xf32>
        %add3A_108 = arith.addf %add3A_104, %add3A_105 : vector<16xf32>
        %add3A_109 = arith.addf %add3A_106, %add3A_107 : vector<16xf32>
        %add3A_110 = arith.addf %add3A_108, %add3A_109 : vector<16xf32>
        %mul3A_111 = arith.constant 128 : i32
        %mul3A_112 = arith.muli %add3A_41, %mul3A_111 : i32
        %add3A_113 = arith.addi %mul3A_112, %mul3A_100 : i32
        %swap3A = arith.index_cast %add3A_113 : i32 to index
        %swap3A_114 = tpu.vector_load %arg7[%swap3A] {strides = array<i32>} : memref<512xf32, #tpu.memory_space<vmem>>, vector<16xf32>,
        tpu.vector_store %arg7[%swap3A], %add3A_110 {strides = array<i32>} : memref<512xf32, #tpu.memory_space<vmem>>, vector<16xf32>,
      }
      %scan3A_61 = arith.constant 8 : i32
      %add3A_62 = arith.constant 2 : i32
      %add3A_63 = arith.addi %add3A_41, %add3A_62 : i32
      %lt3A = arith.constant 4 : i32
      %lt3A_64 = arith.cmpi slt, %add3A_63, %lt3A : i32
      %convert_element_type3A = arith.extui %lt3A_64 : i1 to i32
      %cond3A = arith.constant 0 : i32
      %cond3A_65 = arith.cmpi ne, %convert_element_type3A, %cond3A : i32
      scf.if %cond3A_65 {
        %add3A_98 = arith.constant 2 : i32
        %add3A_99 = arith.addi %add3A_41, %add3A_98 : i32
        %mul3A_100 = arith.constant 128 : i32
        %mul3A_101 = arith.muli %add3A_99, %mul3A_100 : i32
        %add3A_102 = arith.addi %mul3A_2, %mul3A_101 : i32
        %dma_start3A_103 = arith.constant 0 : i32
        %dma_start3A_104 = arith.constant 0 : i32
        %dma_start3A_105 = arith.constant 0 : i32
        %dma_start3A_106 = tpu.memref_slice %arg6[%dma_start3A_103, %dma_start3A_104, %dma_start3A_105] : memref<2x200x128xi32, #tpu.memory_space<vmem>> -> memref<1x200x128xi32, #tpu.memory_space<vmem>>
        %dma_start3A_107 = tpu.memref_squeeze %dma_start3A_106 : memref<1x200x128xi32, #tpu.memory_space<vmem>> -> memref<200x128xi32, #tpu.memory_space<vmem>>
        %dma_start3A_108 = arith.constant 0 : i32
        %dma_start3A_109 = tpu.memref_slice %arg2[%dma_start3A_108, %add3A_102] : memref<200x16384xi32, #tpu.memory_space<hbm>> -> memref<200x128xi32, #tpu.memory_space<hbm>>
        %dma_start3A_110 = arith.constant 0 : i32
        %dma_start3A_111 = arith.constant 0 : i32
        %dma_start3A_112 = tpu.memref_slice %arg6[%dma_start3A_103, %dma_start3A_110, %dma_start3A_111] : memref<2x200x128xi32, #tpu.memory_space<vmem>> -> memref<1x200x128xi32, #tpu.memory_space<vmem>>
        %dma_start3A_113 = tpu.memref_squeeze %dma_start3A_112 : memref<1x200x128xi32, #tpu.memory_space<vmem>> -> memref<200x128xi32, #tpu.memory_space<vmem>>
        %dma_start3A_114 = arith.constant 0 : i32
        %dma_start3A_115 = tpu.memref_slice %arg2[%dma_start3A_114, %add3A_102] : memref<200x16384xi32, #tpu.memory_space<hbm>> -> memref<200x128xi32, #tpu.memory_space<hbm>>
        tpu.enqueue_dma source(%dma_start3A_115 : memref<200x128xi32, #tpu.memory_space<hbm>>) target(%dma_start3A_113 : memref<200x128xi32, #tpu.memory_space<vmem>>) target_semaphore(%arg8 : memref<!tpu.dma_semaphore, #tpu.memory_space<semaphore_mem>>)
      } else {
      }
      %mul3A_66 = arith.constant 2 : i32
      %mul3A_67 = arith.muli %mul3A_66, %scan3A_37 : i32
      %add3A_68 = arith.constant 1 : i32
      %add3A_69 = arith.addi %mul3A_67, %add3A_68 : i32
      %mul3A_70 = arith.constant 128 : i32
      %mul3A_71 = arith.muli %add3A_69, %mul3A_70 : i32
      %add3A_72 = arith.addi %mul3A_2, %mul3A_71 : i32
      %dma_wait3A_73 = arith.constant 1 : i32
      %dma_wait3A_74 = arith.constant 0 : i32
      %dma_wait3A_75 = arith.constant 0 : i32
      %dma_wait3A_76 = tpu.memref_slice %arg6[%dma_wait3A_73, %dma_wait3A_74, %dma_wait3A_75] : memref<2x200x128xi32, #tpu.memory_space<vmem>> -> memref<1x200x128xi32, #tpu.memory_space<vmem>>
      %dma_wait3A_77 = tpu.memref_squeeze %dma_wait3A_76 : memref<1x200x128xi32, #tpu.memory_space<vmem>> -> memref<200x128xi32, #tpu.memory_space<vmem>>
      %dma_wait3A_78 = arith.constant 0 : i32
      %dma_wait3A_79 = tpu.memref_slice %arg2[%dma_wait3A_78, %add3A_72] : memref<200x16384xi32, #tpu.memory_space<hbm>> -> memref<200x128xi32, #tpu.memory_space<hbm>>
      %dma_wait3A_80 = arith.constant 0 : i32
      %dma_wait3A_81 = arith.constant 0 : i32
      %dma_wait3A_82 = tpu.memref_slice %arg6[%dma_wait3A_73, %dma_wait3A_80, %dma_wait3A_81] : memref<2x200x128xi32, #tpu.memory_space<vmem>> -> memref<1x200x128xi32, #tpu.memory_space<vmem>>
      %dma_wait3A_83 = tpu.memref_squeeze %dma_wait3A_82 : memref<1x200x128xi32, #tpu.memory_space<vmem>> -> memref<200x128xi32, #tpu.memory_space<vmem>>
      %dma_wait3A_84 = arith.constant 0 : i32
      %dma_wait3A_85 = tpu.memref_slice %arg2[%dma_wait3A_84, %add3A_72] : memref<200x16384xi32, #tpu.memory_space<hbm>> -> memref<200x128xi32, #tpu.memory_space<hbm>>
      tpu.wait_dma2 semaphore(%arg9 : memref<!tpu.dma_semaphore, #tpu.memory_space<semaphore_mem>>) src(%dma_wait3A_85 : memref<200x128xi32, #tpu.memory_space<hbm>>) dst(%dma_wait3A_83 : memref<200x128xi32, #tpu.memory_space<vmem>>)
      %scan3A_86 = arith.constant 0 : i32
      %scan3A_87 = arith.constant 8 : i32
      %scan3A_88 = arith.addi %scan3A_86, %scan3A_87 : i32
      %scan3A_89 = arith.constant 1 : i32
      scf.for %scan3A_98 = %scan3A_86 to %scan3A_88 step %scan3A_89  : i32 {
        %mul3A_99 = arith.constant 16 : i32
        %mul3A_100 = arith.muli %scan3A_98, %mul3A_99 : i32
        %parallel_loop3A = arith.constant 0 : i32
        %parallel_loop3A_101 = arith.constant 200 : i32
        %parallel_loop3A_102 = arith.constant 8 : i32
        %parallel_loop3A_103:8 = scf.for %parallel_loop3A_115 = %parallel_loop3A to %parallel_loop3A_101 step %parallel_loop3A_102 iter_args(%parallel_loop3A_116 = %broadcast_in_dim3A_32, %parallel_loop3A_117 = %broadcast_in_dim3A_32, %parallel_loop3A_118 = %broadcast_in_dim3A_32, %parallel_loop3A_119 = %broadcast_in_dim3A_32, %parallel_loop3A_120 = %broadcast_in_dim3A_32, %parallel_loop3A_121 = %broadcast_in_dim3A_32, %parallel_loop3A_122 = %broadcast_in_dim3A_32, %parallel_loop3A_123 = %broadcast_in_dim3A_32) -> (vector<16xf32>, vector<16xf32>, vector<16xf32>, vector<16xf32>, vector<16xf32>, vector<16xf32>, vector<16xf32>, vector<16xf32>)  : i32 {
          %parallel_loop3A_124 = arith.constant 0 : i32
          %parallel_loop3A_125 = arith.addi %parallel_loop3A_115, %parallel_loop3A_124 : i32
          %parallel_loop3A_126 = arith.constant 1 : i32
          %parallel_loop3A_127 = arith.index_cast %parallel_loop3A_126 : i32 to index
          %parallel_loop3A_128 = arith.index_cast %parallel_loop3A_125 : i32 to index
          %parallel_loop3A_129 = arith.index_cast %mul3A_100 : i32 to index
          %parallel_loop3A_130 = tpu.vector_load %arg6[%parallel_loop3A_127, %parallel_loop3A_128, %parallel_loop3A_129] {strides = array<i32>} : memref<2x200x128xi32, #tpu.memory_space<vmem>>, vector<16xi32>,
          %parallel_loop3A_131 = tpu.vector_load_idx %arg5[%parallel_loop3A_130] : memref<769xf32, #tpu.memory_space<vmem>>[vector<16xi32>], vector<16xf32>,
          %parallel_loop3A_132 = arith.addf %parallel_loop3A_116, %parallel_loop3A_131 : vector<16xf32>
          %parallel_loop3A_133 = arith.constant 1 : i32
          %parallel_loop3A_134 = arith.addi %parallel_loop3A_115, %parallel_loop3A_133 : i32
          %parallel_loop3A_135 = arith.constant 1 : i32
          %parallel_loop3A_136 = arith.index_cast %parallel_loop3A_135 : i32 to index
          %parallel_loop3A_137 = arith.index_cast %parallel_loop3A_134 : i32 to index
          %parallel_loop3A_138 = arith.index_cast %mul3A_100 : i32 to index
          %parallel_loop3A_139 = tpu.vector_load %arg6[%parallel_loop3A_136, %parallel_loop3A_137, %parallel_loop3A_138] {strides = array<i32>} : memref<2x200x128xi32, #tpu.memory_space<vmem>>, vector<16xi32>,
          %parallel_loop3A_140 = tpu.vector_load_idx %arg5[%parallel_loop3A_139] : memref<769xf32, #tpu.memory_space<vmem>>[vector<16xi32>], vector<16xf32>,
          %parallel_loop3A_141 = arith.addf %parallel_loop3A_117, %parallel_loop3A_140 : vector<16xf32>
          %parallel_loop3A_142 = arith.constant 2 : i32
          %parallel_loop3A_143 = arith.addi %parallel_loop3A_115, %parallel_loop3A_142 : i32
          %parallel_loop3A_144 = arith.constant 1 : i32
          %parallel_loop3A_145 = arith.index_cast %parallel_loop3A_144 : i32 to index
          %parallel_loop3A_146 = arith.index_cast %parallel_loop3A_143 : i32 to index
          %parallel_loop3A_147 = arith.index_cast %mul3A_100 : i32 to index
          %parallel_loop3A_148 = tpu.vector_load %arg6[%parallel_loop3A_145, %parallel_loop3A_146, %parallel_loop3A_147] {strides = array<i32>} : memref<2x200x128xi32, #tpu.memory_space<vmem>>, vector<16xi32>,
          %parallel_loop3A_149 = tpu.vector_load_idx %arg5[%parallel_loop3A_148] : memref<769xf32, #tpu.memory_space<vmem>>[vector<16xi32>], vector<16xf32>,
          %parallel_loop3A_150 = arith.addf %parallel_loop3A_118, %parallel_loop3A_149 : vector<16xf32>
          %parallel_loop3A_151 = arith.constant 3 : i32
          %parallel_loop3A_152 = arith.addi %parallel_loop3A_115, %parallel_loop3A_151 : i32
          %parallel_loop3A_153 = arith.constant 1 : i32
          %parallel_loop3A_154 = arith.index_cast %parallel_loop3A_153 : i32 to index
          %parallel_loop3A_155 = arith.index_cast %parallel_loop3A_152 : i32 to index
          %parallel_loop3A_156 = arith.index_cast %mul3A_100 : i32 to index
          %parallel_loop3A_157 = tpu.vector_load %arg6[%parallel_loop3A_154, %parallel_loop3A_155, %parallel_loop3A_156] {strides = array<i32>} : memref<2x200x128xi32, #tpu.memory_space<vmem>>, vector<16xi32>,
          %parallel_loop3A_158 = tpu.vector_load_idx %arg5[%parallel_loop3A_157] : memref<769xf32, #tpu.memory_space<vmem>>[vector<16xi32>], vector<16xf32>,
          %parallel_loop3A_159 = arith.addf %parallel_loop3A_119, %parallel_loop3A_158 : vector<16xf32>
          %parallel_loop3A_160 = arith.constant 4 : i32
          %parallel_loop3A_161 = arith.addi %parallel_loop3A_115, %parallel_loop3A_160 : i32
          %parallel_loop3A_162 = arith.constant 1 : i32
          %parallel_loop3A_163 = arith.index_cast %parallel_loop3A_162 : i32 to index
          %parallel_loop3A_164 = arith.index_cast %parallel_loop3A_161 : i32 to index
          %parallel_loop3A_165 = arith.index_cast %mul3A_100 : i32 to index
          %parallel_loop3A_166 = tpu.vector_load %arg6[%parallel_loop3A_163, %parallel_loop3A_164, %parallel_loop3A_165] {strides = array<i32>} : memref<2x200x128xi32, #tpu.memory_space<vmem>>, vector<16xi32>,
          %parallel_loop3A_167 = tpu.vector_load_idx %arg5[%parallel_loop3A_166] : memref<769xf32, #tpu.memory_space<vmem>>[vector<16xi32>], vector<16xf32>,
          %parallel_loop3A_168 = arith.addf %parallel_loop3A_120, %parallel_loop3A_167 : vector<16xf32>
          %parallel_loop3A_169 = arith.constant 5 : i32
          %parallel_loop3A_170 = arith.addi %parallel_loop3A_115, %parallel_loop3A_169 : i32
          %parallel_loop3A_171 = arith.constant 1 : i32
          %parallel_loop3A_172 = arith.index_cast %parallel_loop3A_171 : i32 to index
          %parallel_loop3A_173 = arith.index_cast %parallel_loop3A_170 : i32 to index
          %parallel_loop3A_174 = arith.index_cast %mul3A_100 : i32 to index
          %parallel_loop3A_175 = tpu.vector_load %arg6[%parallel_loop3A_172, %parallel_loop3A_173, %parallel_loop3A_174] {strides = array<i32>} : memref<2x200x128xi32, #tpu.memory_space<vmem>>, vector<16xi32>,
          %parallel_loop3A_176 = tpu.vector_load_idx %arg5[%parallel_loop3A_175] : memref<769xf32, #tpu.memory_space<vmem>>[vector<16xi32>], vector<16xf32>,
          %parallel_loop3A_177 = arith.addf %parallel_loop3A_121, %parallel_loop3A_176 : vector<16xf32>
          %parallel_loop3A_178 = arith.constant 6 : i32
          %parallel_loop3A_179 = arith.addi %parallel_loop3A_115, %parallel_loop3A_178 : i32
          %parallel_loop3A_180 = arith.constant 1 : i32
          %parallel_loop3A_181 = arith.index_cast %parallel_loop3A_180 : i32 to index
          %parallel_loop3A_182 = arith.index_cast %parallel_loop3A_179 : i32 to index
          %parallel_loop3A_183 = arith.index_cast %mul3A_100 : i32 to index
          %parallel_loop3A_184 = tpu.vector_load %arg6[%parallel_loop3A_181, %parallel_loop3A_182, %parallel_loop3A_183] {strides = array<i32>} : memref<2x200x128xi32, #tpu.memory_space<vmem>>, vector<16xi32>,
          %parallel_loop3A_185 = tpu.vector_load_idx %arg5[%parallel_loop3A_184] : memref<769xf32, #tpu.memory_space<vmem>>[vector<16xi32>], vector<16xf32>,
          %parallel_loop3A_186 = arith.addf %parallel_loop3A_122, %parallel_loop3A_185 : vector<16xf32>
          %parallel_loop3A_187 = arith.constant 7 : i32
          %parallel_loop3A_188 = arith.addi %parallel_loop3A_115, %parallel_loop3A_187 : i32
          %parallel_loop3A_189 = arith.constant 1 : i32
          %parallel_loop3A_190 = arith.index_cast %parallel_loop3A_189 : i32 to index
          %parallel_loop3A_191 = arith.index_cast %parallel_loop3A_188 : i32 to index
          %parallel_loop3A_192 = arith.index_cast %mul3A_100 : i32 to index
          %parallel_loop3A_193 = tpu.vector_load %arg6[%parallel_loop3A_190, %parallel_loop3A_191, %parallel_loop3A_192] {strides = array<i32>} : memref<2x200x128xi32, #tpu.memory_space<vmem>>, vector<16xi32>,
          %parallel_loop3A_194 = tpu.vector_load_idx %arg5[%parallel_loop3A_193] : memref<769xf32, #tpu.memory_space<vmem>>[vector<16xi32>], vector<16xf32>,
          %parallel_loop3A_195 = arith.addf %parallel_loop3A_123, %parallel_loop3A_194 : vector<16xf32>
          scf.yield %parallel_loop3A_132, %parallel_loop3A_141, %parallel_loop3A_150, %parallel_loop3A_159, %parallel_loop3A_168, %parallel_loop3A_177, %parallel_loop3A_186, %parallel_loop3A_195 : vector<16xf32>, vector<16xf32>, vector<16xf32>, vector<16xf32>, vector<16xf32>, vector<16xf32>, vector<16xf32>, vector<16xf32>
        } {sc.loop_unroll_factor = 2 : i64, sc.parallel_access}
        %add3A_104 = arith.addf %parallel_loop3A_103#0, %parallel_loop3A_103#1 : vector<16xf32>
        %add3A_105 = arith.addf %parallel_loop3A_103#2, %parallel_loop3A_103#3 : vector<16xf32>
        %add3A_106 = arith.addf %parallel_loop3A_103#4, %parallel_loop3A_103#5 : vector<16xf32>
        %add3A_107 = arith.addf %parallel_loop3A_103#6, %parallel_loop3A_103#7 : vector<16xf32>
        %add3A_108 = arith.addf %add3A_104, %add3A_105 : vector<16xf32>
        %add3A_109 = arith.addf %add3A_106, %add3A_107 : vector<16xf32>
        %add3A_110 = arith.addf %add3A_108, %add3A_109 : vector<16xf32>
        %mul3A_111 = arith.constant 128 : i32
        %mul3A_112 = arith.muli %add3A_69, %mul3A_111 : i32
        %add3A_113 = arith.addi %mul3A_112, %mul3A_100 : i32
        %swap3A = arith.index_cast %add3A_113 : i32 to index
        %swap3A_114 = tpu.vector_load %arg7[%swap3A] {strides = array<i32>} : memref<512xf32, #tpu.memory_space<vmem>>, vector<16xf32>,
        tpu.vector_store %arg7[%swap3A], %add3A_110 {strides = array<i32>} : memref<512xf32, #tpu.memory_space<vmem>>, vector<16xf32>,
      }
      %scan3A_90 = arith.constant 8 : i32
      %add3A_91 = arith.constant 2 : i32
      %add3A_92 = arith.addi %add3A_69, %add3A_91 : i32
      %lt3A_93 = arith.constant 4 : i32
      %lt3A_94 = arith.cmpi slt, %add3A_92, %lt3A_93 : i32
      %convert_element_type3A_95 = arith.extui %lt3A_94 : i1 to i32
      %cond3A_96 = arith.constant 0 : i32
      %cond3A_97 = arith.cmpi ne, %convert_element_type3A_95, %cond3A_96 : i32
      scf.if %cond3A_97 {
        %add3A_98 = arith.constant 2 : i32
        %add3A_99 = arith.addi %add3A_69, %add3A_98 : i32
        %mul3A_100 = arith.constant 128 : i32
        %mul3A_101 = arith.muli %add3A_99, %mul3A_100 : i32
        %add3A_102 = arith.addi %mul3A_2, %mul3A_101 : i32
        %dma_start3A_103 = arith.constant 1 : i32
        %dma_start3A_104 = arith.constant 0 : i32
        %dma_start3A_105 = arith.constant 0 : i32
        %dma_start3A_106 = tpu.memref_slice %arg6[%dma_start3A_103, %dma_start3A_104, %dma_start3A_105] : memref<2x200x128xi32, #tpu.memory_space<vmem>> -> memref<1x200x128xi32, #tpu.memory_space<vmem>>
        %dma_start3A_107 = tpu.memref_squeeze %dma_start3A_106 : memref<1x200x128xi32, #tpu.memory_space<vmem>> -> memref<200x128xi32, #tpu.memory_space<vmem>>
        %dma_start3A_108 = arith.constant 0 : i32
        %dma_start3A_109 = tpu.memref_slice %arg2[%dma_start3A_108, %add3A_102] : memref<200x16384xi32, #tpu.memory_space<hbm>> -> memref<200x128xi32, #tpu.memory_space<hbm>>
        %dma_start3A_110 = arith.constant 0 : i32
        %dma_start3A_111 = arith.constant 0 : i32
        %dma_start3A_112 = tpu.memref_slice %arg6[%dma_start3A_103, %dma_start3A_110, %dma_start3A_111] : memref<2x200x128xi32, #tpu.memory_space<vmem>> -> memref<1x200x128xi32, #tpu.memory_space<vmem>>
        %dma_start3A_113 = tpu.memref_squeeze %dma_start3A_112 : memref<1x200x128xi32, #tpu.memory_space<vmem>> -> memref<200x128xi32, #tpu.memory_space<vmem>>
        %dma_start3A_114 = arith.constant 0 : i32
        %dma_start3A_115 = tpu.memref_slice %arg2[%dma_start3A_114, %add3A_102] : memref<200x16384xi32, #tpu.memory_space<hbm>> -> memref<200x128xi32, #tpu.memory_space<hbm>>
        tpu.enqueue_dma source(%dma_start3A_115 : memref<200x128xi32, #tpu.memory_space<hbm>>) target(%dma_start3A_113 : memref<200x128xi32, #tpu.memory_space<vmem>>) target_semaphore(%arg9 : memref<!tpu.dma_semaphore, #tpu.memory_space<semaphore_mem>>)
      } else {
      }
    }
    %scan3A_36 = arith.constant 2 : i32
    "tpu.region"() ({
      %run_scoped3A = tpu.sem_alloc : memref<!tpu.dma_semaphore, #tpu.memory_space<semaphore_mem>>
      %dma_start3A_37 = tpu.memref_slice %arg4[%mul3A_2] : memref<16384xf32, #tpu.memory_space<hbm>> -> memref<512xf32, #tpu.memory_space<hbm>>
      %dma_start3A_38 = tpu.memref_slice %arg4[%mul3A_2] : memref<16384xf32, #tpu.memory_space<hbm>> -> memref<512xf32, #tpu.memory_space<hbm>>
      tpu.enqueue_dma source(%arg7 : memref<512xf32, #tpu.memory_space<vmem>>) target(%dma_start3A_38 : memref<512xf32, #tpu.memory_space<hbm>>) target_semaphore(%run_scoped3A : memref<!tpu.dma_semaphore, #tpu.memory_space<semaphore_mem>>)
      %dma_wait3A = tpu.memref_slice %arg4[%mul3A_2] : memref<16384xf32, #tpu.memory_space<hbm>> -> memref<512xf32, #tpu.memory_space<hbm>>
      %dma_wait3A_39 = tpu.memref_slice %arg4[%mul3A_2] : memref<16384xf32, #tpu.memory_space<hbm>> -> memref<512xf32, #tpu.memory_space<hbm>>
      tpu.wait_dma2 semaphore(%run_scoped3A : memref<!tpu.dma_semaphore, #tpu.memory_space<semaphore_mem>>) src(%arg7 : memref<512xf32, #tpu.memory_space<vmem>>) dst(%dma_wait3A_39 : memref<512xf32, #tpu.memory_space<hbm>>)
      tpu.yield
    }) : () -> ()
    return
  }
}

</mosaic_0001>

<sc_bundles>
// kernel: _pst_sum.3.cloned.1.call-start
scs
__scs_entry_jumppad:
0x0: {  	(pc) =	sbr.rel $0x88, $3  }
0x1: {  	(tag) =	ssettag $0x0;
	lr =	simm.s32 $0x1  }
0x2: {  	[smem:$0x3F9F] =	sst lr;
	_ =	strace $0xD0000000  }
0x3: {  	_ = 	snop  }
0x4: {  	_ = 	snop  }
0x5: {  	_ = 	snop  }
0x6: {  	_ = 	snop  }
0x7: {  	_ = 	snop  }
__scs_overlays_trampoline_lowered:
0x8: {  	[smem:$0x3FAE] =	sst s0  }
0x9: {  	[smem:$0x3FAF] =	sst s1  }
0xa: {  	[smem:$0x3FB0] =	sst s2  }
0xb: {  	[smem:$0x3FB1] =	sst s3  }
0xc: {  	[smem:$0x3FB2] =	sst s4  }
0xd: {  	[smem:$0x3FB3] =	sst s5  }
0xe: {  	[smem:$0x3FB4] =	sst s6  }
0xf: {  	[smem:$0x3FB5] =	sst s7  }
0x10: {  	[smem:$0x3FB6] =	sst s8  }
0x11: {  	[smem:$0x3FB7] =	sst s9;
	s0 =	simm.s32 @!p0 $0x0  }
0x12: {  	s1 =	sld [smem:$0x3F9D];
	s0 =	simm.s32 @p0 $0x1  }
0x13: {  	[smem:$0x3FB8] =	sst s0;
	s0 =	simm.s32 @!p1 $0x0  }
0x14: {  	s2 =	sld [smem:$0x3F9C];
	s0 =	simm.s32 @p1 $0x1  }
0x15: {  	[smem:$0x3FB9] =	sst s0;
	s0 =	simm.s32 @!p2 $0x0  }
0x16: {  	s3 =	sld [smem:$0x3FDB];
	s0 =	simm.s32 @p2 $0x1  }
0x17: {  	s4 =	simm.s32 $0x1BF5;
	[smem:$0x3FBB] =	sst s0  }
0x18: {  	s0 =	sld [smem:$0x3F9E];
	_ =	swait.ge [sflag:s4], $0x0  }
0x19: {  	s7 =	sld [smem:$0x3F9F]  }
0x1a: {  	s8 =	sadd.s32 $0xFFFFE003, lr  }
0x1b: {  	s9 =	sadd.s32 $0xFFFFFEF7, lr;
	s5 =	simm.s32 $0xFFFFFFFF;
	p2 =	slt.u32 s8, $0xFFFFF086  }
0x1c: {  	p1 =	slt.u32 s9, $0xF7A;
	s5 =	simm.s32 @!p2 $0x0  }
0x1d: {  	s5 =	simm.s32 @p1 $0x1;
	p0 =	seq.s32 s7, s2  }
0x1e: {  	s7 =	smul.u32 @!p0 $0xF7A, s2;
	p2 =	seq.s32 @!p0 s5, $0x0  }
0x1f: {  	s9 =	smul.u32 $0xF7A, s1;
	s8 =	simm.s32 @!p0 $0x1BF5;
	p2 =	por !p2, p0  }
0x20: {  	[sflag:s8] =	ssyncset.s32 @!p0 $0xFFFFF086;
	s6 =	sadd.s32 @!p0 s3, s7;
	s7 =	simm.s32 @!p0 $0x108  }
0x21: {  	s3 =	sadd.s32 s3, s9;
	s6 =	sadd.s32 @!p0 $0x88, s6;
	s7 =	simm.s32 @p2 $0x1082  }
0x22: {  	[simem:s7], [sflag:s8] =	dma.local @!p0 [hbm:s6], $0xF7A  }
0x23: {  	s9 =	sor.u32 $0xD0000000, s2;
	s6 =	simm.s32 $0x108;
	_ =	swait.ge @!p0 [sflag:s8], $0x0  }
0x24: {  	s3 =	sadd.s32 $0x88, s3;
	s6 =	simm.s32 @!p1 $0x1082;
	[sflag:s4] =	ssyncset.s32 $0xFFFFF086  }
0x25: {  	[simem:s6], [sflag:s4] =	dma.local [hbm:s3], $0xF7A  }
0x26: {  	[smem:$0x3F9F] =	sst s1;
	(tag) =	ssettag s2;
	_ =	strace s9  }
0x27: {  	s1 =	sld [smem:$0x3FAF]  }
0x28: {  	s2 =	sld [smem:$0x3FB0]  }
0x29: {  	s4 =	sld [smem:$0x3FB2]  }
0x2a: {  	p0 =	seq.s32 s5, $0x0;
	s5 =	sld [smem:$0x3FB3]  }
0x2b: {  	s6 =	sld [smem:$0x3FB4]  }
0x2c: {  	s7 =	sld [smem:$0x3FB5]  }
0x2d: {  	s3 =	simm.s32 $0x108;
	s8 =	sld [smem:$0x3FB6]  }
0x2e: {  	s3 =	simm.s32 @!p0 $0x1082;
	s9 =	sld [smem:$0x3FB7]  }
0x2f: {  	lr =	sadd.s32 s0, s3;
	s0 =	sld [smem:$0x3FAE]  }
0x30: {  	s3 =	sld [smem:$0x3FB1]  }
0x31: {  	[smem:$0x3FBA] =	sst s10  }
0x32: {  	s10 =	sld [smem:$0x3FB8];
	_ =	sdelay $0x3  }
0x33: {  	p0 =	seq.s32 s10, $0x1;
	s10 =	sld [smem:$0x3FBA];
	_ =	sdelay $0x3  }
0x34: {  	[smem:$0x3FBA] =	sst s10  }
0x35: {  	s10 =	sld [smem:$0x3FB9];
	_ =	sdelay $0x3  }
0x36: {  	p1 =	seq.s32 s10, $0x1;
	s10 =	sld [smem:$0x3FBA];
	_ =	sdelay $0x3  }
0x37: {  	[smem:$0x3FBA] =	sst s10  }
0x38: {  	s10 =	sld [smem:$0x3FBB]  }
0x39: {  	_ = 	snop;
	(pc) =	sbr.ind lr, $3  }
0x3a: {  	_ = 	snop  }
0x3b: {  	_ = 	snop  }
0x3c: {  	p2 =	seq.s32 s10, $0x1;
	s10 =	sld [smem:$0x3FBA]  }
0x3d: {  	_ =	shalt  }
0x3e: {  	_ =	shalt  }
0x3f: {  	_ =	shalt  }
0x40: {  	_ =	shalt  }
0x41: {  	_ =	shalt  }
0x42: {  	_ =	shalt  }
0x43: {  	_ =	shalt  }
0x44: {  	_ =	shalt  }
0x45: {  	_ =	shalt  }
0x46: {  	_ =	shalt  }
0x47: {  	_ =	shalt  }
0x48: {  	_ =	shalt  }
0x49: {  	_ =	shalt  }
0x4a: {  	_ =	shalt  }
0x4b: {  	_ =	shalt  }
0x4c: {  	_ =	shalt  }
0x4d: {  	_ =	shalt  }
0x4e: {  	_ =	shalt  }
0x4f: {  	_ =	shalt  }
0x50: {  	_ =	shalt  }
0x51: {  	_ =	shalt  }
0x52: {  	_ =	shalt  }
0x53: {  	_ =	shalt  }
0x54: {  	_ =	shalt  }
0x55: {  	_ =	shalt  }
0x56: {  	_ =	shalt  }
0x57: {  	_ =	shalt  }
0x58: {  	_ =	shalt  }
0x59: {  	_ =	shalt  }
0x5a: {  	_ =	shalt  }
0x5b: {  	_ =	shalt  }
0x5c: {  	_ =	shalt  }
0x5d: {  	_ =	shalt  }
0x5e: {  	_ =	shalt  }
0x5f: {  	_ =	shalt  }
0x60: {  	_ =	shalt  }
0x61: {  	_ =	shalt  }
0x62: {  	_ =	shalt  }
0x63: {  	_ =	shalt  }
0x64: {  	_ =	shalt  }
0x65: {  	_ =	shalt  }
0x66: {  	_ =	shalt  }
0x67: {  	_ =	shalt  }
0x68: {  	_ =	shalt  }
0x69: {  	_ =	shalt  }
0x6a: {  	_ =	shalt  }
0x6b: {  	_ =	shalt  }
0x6c: {  	_ =	shalt  }
0x6d: {  	_ =	shalt  }
0x6e: {  	_ =	shalt  }
0x6f: {  	_ =	shalt  }
0x70: {  	_ =	shalt  }
0x71: {  	_ =	shalt  }
0x72: {  	_ =	shalt  }
0x73: {  	_ =	shalt  }
0x74: {  	_ =	shalt  }
0x75: {  	_ =	shalt  }
0x76: {  	_ =	shalt  }
0x77: {  	_ =	shalt  }
0x78: {  	_ =	shalt  }
0x79: {  	_ =	shalt  }
0x7a: {  	_ =	shalt  }
0x7b: {  	_ =	shalt  }
0x7c: {  	_ =	shalt  }
0x7d: {  	_ =	shalt  }
0x7e: {  	_ =	shalt  }
0x7f: {  	_ =	shalt  }
0x80: {  	_ =	shalt  }
0x81: {  	_ =	shalt  }
0x82: {  	_ =	shalt  }
0x83: {  	_ =	shalt  }
0x84: {  	_ =	shalt  }
0x85: {  	_ =	shalt  }
0x86: {  	_ =	shalt  }
0x87: {  	_ =	shalt  }
.Lfunc_end0:
.L_simem_size_0:
called_computation_lowered:
.L_overlay_start_0:
0x88: {  	s2 =	sld [smem:$0x3FD9]  }
0x89: {  	s3 =	sld [smem:$0x3FFE];
	_ =	sdelay $0x1  }
0x8a: {  	s1 =	srdreg.scid  }
0x8b: {  	s0 =	sand.u32 $0x1, s1  }
0x8c: {  	s18 =	sshll.u32 s0, $0xA;
	s2 =	sadd.s32 s3, s2  }
0x8d: {  	s2 =	sadd.s32 s2, s18  }
0x8e: {  	[smem:$0x3FC6] =	sst s2  }
0x8f: {  	_ = 	snop  }
0x90: {  	s2 =	sld [smem:$0x3FC9]  }
0x91: {  	s19 =	sld [smem:$0x3FC8]  }
0x92: {  	s4 =	sld [smem:$0x3FD0];
	(tm) =	ssettm $0x1  }
0x93: {  	s5 =	sld [smem:$0x3FFB];
	_ =	sdelay $0x3  }
0x94: {  	_ =	strace s5  }
0x95: {  	s5 =	sld [smem:$0x3FFC];
	_ =	sdelay $0x3  }
0x96: {  	_ =	strace s5  }
0x97: {  	s5 =	sld [smem:$0x3FFD];
	_ =	sdelay $0x3  }
0x98: {  	_ =	strace s5  }
0x99: {  	_ =	strace $0x8FFFFFFF  }
0x9a: {  	s20 =	sld [smem:$0x3FDB];
	_ =	sdelay $0x1  }
0x9b: {  	s6 =	simm.s32 $_scs_section_size  }
0x9c: {  	s7 =	simm.s32 $_size__tile_overlayer_lowered;
	s8 =	simm.s32 $_tile_overlayer_lowered  }
0x9d: {  	s23 =	simm.s32 $0x1BFF;
	s22 =	sshll.u32 s8, $0x1;
	s5 =	sadd.s32 s6, s20  }
0x9e: {  	s9 =	simm.s32 $0x0;
	s21 =	sshll.u32 s7, $0x1;
	s7 =	sadd.s32 s22, s5  }
0x9f: {  	[timem:s9], [sflag:s23] =	dma.local [hbm:s7], s21  }
0xa0: {  	_ =	swait.ge [sflag:s23], s21  }
0xa1: {  	s6 =	ssub.s32 $0x0, s21;
	[sflag:s23] =	ssyncset.done $0x0  }
0xa2: {  	[sflag:s23] =	ssyncadd.s32 s6;
	_ =	sdelay $0x1  }
0xa3: {  	s24 =	simm.s32 $0x1B8B  }
0xa4: {  	_ =	swait.ge [sflag:s24], $0x1  }
0xa5: {  	[sflag:s24] =	ssyncset.done $0x0  }
0xa6: {  	s25 =	simm.s32 $0x1B8E;
	[sflag:s24] =	ssyncadd.s32 $0xFFFFFFFF  }
0xa7: {  	s26 =	simm.s32 $execute0_lowered;
	[smem:$0x3FD2] =	sst s25  }
0xa8: {  	s6 =	sshll.u32 s26, $0x1;
	_ =	strace $0x80000046;
	[dreg:$0x1] =	wrdreg $0xFFFFFFFF  }
0xa9: {  	s28 =	simm.s32 $_size_execute0_lowered;
	s5 =	sadd.s32 s5, s6;
	[dreg:$0x0] =	wrdreg $0x0  }
0xaa: {  	s6 =	sshll.u32 s28, $0x1;
	[dreg:$0x2] =	wrdreg s5  }
0xab: {  	[dreg:$0x3] =	wrdreg s6  }
0xac: {  	[dreg:$0x4] =	wrdreg $0xC0  }
0xad: {  	_ =	task [dreg:s9], $0x5FFFF  }
0xae: {  	[dreg:$0x1] =	wrdreg $0xFFFFFFFF  }
0xaf: {  	[dreg:$0x0] =	wrdreg $0x60  }
0xb0: {  	[dreg:$0x2] =	wrdreg s2  }
0xb1: {  	[dreg:$0x3] =	wrdreg s19  }
0xb2: {  	[dreg:$0x4] =	wrdreg s4  }
0xb3: {  	[dreg:$0x5] =	wrdreg $0x9  }
0xb4: {  	_ =	task.clear_ibuf [dreg:s9], $0x6FFFF;
	_ =	strace $0x90000046  }
0xb5: {  	s29 =	simm.s32 $0x9;
	_ =	strace $0x80000048  }
0xb6: {  	_ =	swait.ge [sflag:s29], $0x1  }
0xb7: {  	[sflag:s29] =	ssyncadd.s32 $0xFFFFFFFF  }
0xb8: {  	_ =	strace $0x90000048  }
0xb9: {  	_ =	sfence  }
0xba: {  	s30 =	sld [smem:$0x0];
	_ =	sdelay $0x2  }
0xbb: {  	s31 =	sshll.u32 s1, $0xD;
	s1 =	sshrl.u32 s1, $0x2  }
0xbc: {  	s3 =	sand.u32 $0x4000, s31;
	s1 =	sadd.s32 s1, s30  }
0xbd: {  	s0 =	sor.u32 s3, s0;
	s1 =	sshll.u32 s1, $0x11  }
0xbe: {  	s0 =	sor.u32 s1, s0  }
0xbf: {  	s0 =	sadd.s32 $0x8F2B, s0  }
0xc0: {  	[sflag:s0] =	ssyncadd.remote.s32 $0x1  }
0xc1: {  	_ =	sfence.sel $0xFFFF  }
0xc2: {  	[dreg:$0x0] =	wrdreg $0xFFFFFFFF;
	(pc) =	sbr.abs _section_cstart, $3  }
0xc3: {  	[dreg:$0x1] =	wrdreg $0xFFFFFFFF  }
0xc4: {  	_ =	task.clear_ibuf [dreg:s9], $0x2FFFF;
	_ =	strace $0x9FFFFFFF  }
0xc5: {  	(tm) =	ssettm $0x7FFFFFFF  }
tec
execute0_lowered:
.L_overlay_start_1:
0x0: {  	(tag) =	ssettag $0x1  }
0x1: {  	s4 =	rddreg [dreg:$0x0]  }
0x2: {  	s1 =	rddreg [dreg:$0x1]  }
0x3: {  	s8 =	rddreg [dreg:$0x2]  }
0x4: {  	s0 =	rddreg [dreg:$0x3];
	s5 =	srdreg.scid;
	s3 =	simm.s32 $0x0  }
0x5: {  	s2 =	stileid.u32;
	s11 =	simm.s32 $0x20000;
	s12 =	simm.s32 $0x380  }
0x6: {  	s13 =	simm.s32 $0x6780;
	s14 =	simm.s32 $0x3;
	s15 =	simm.s32 $0x1  }
0x7: {  	s16 =	simm.s32 $0x2;
	s17 =	simm.s32 $0xCB80;
	s18 =	simm.s32 $0x0  }
0x8: {  	s5 =	sand.u32 $0x1, s5;
	s7 =	sshll.u32 s2, $0xA;
	[smem:$0x7FF] =	sst s3  }
.Ltmp0:
0x9: {  	s6 =	ssub.s32 $0x2, s5;
	s5 =	sshll.u32 s5, $0x9;
	(pc) =	sbr.rel .LBB2_1-.Ltmp0, $4  }
0xa: {  	_ =	strace $0x80000047;
	s9 =	sshrl.u32 s6, $0x1;
	s7 =	sor.u32 s5, s7  }
0xb: {  	s9 =	ssub.s32 s6, s9;
	s4 =	sadd.s32 s4, s7;
	s10 =	sshrl.u32 s7, $0x3  }
0xc: {  	s5 =	sadd.s32 $0x80, s4;
	s6 =	sadd.s32 $0x100, s4;
	s7 =	sadd.s32 $0x180, s4  }
0xd: {  	s8 =	sadd.s32 s8, s10;
	s9 =	smax.u32 s9, $0x1;
	s10 =	simm.s32 $0x400  }
.LBB2_12:
0xe: {  	s18 =	sadd.s32 $0x1, s18  }
0xf: {  	p0 =	sne.s32 s18, s9  }
.Ltmp1:
0x10: {  	_ = 	snop;
	(pc) =	sbr.rel @!p0 .LBB2_13-.Ltmp1, $4  }
0x11: {  	[hbm4b:s8+s3] =	stream.linear.scatter [tilespmem:s17], [sflag:$0x3], $0x200, $0x38;
	[tilespmem:$0xCD80] =	vst v63  }
0x12: {  	_ =	swait.ge [sflag:s14], $0x200  }
0x13: {  	[sflag:s14] =	ssyncset.done $0x0  }
0x14: {  	[sflag:s14] =	ssyncadd.s32 $0xFFFFFE00  }
.LBB2_1:
0x15: {  	[tilespmem:s12], [sflag:$0x1] =	stream.strided.gather [hbm4b:s4+s10], $0x6400, s11, s10, $0x38;
	[tilespmem:$0xCD80] =	vst v63  }
0x16: {  	_ = 	snop  }
0x17: {  	[tilespmem:s13], [sflag:$0x2] =	stream.strided.gather [hbm4b:s5+s10], $0x6400, s11, s10, $0x38;
	[tilespmem:$0xCD80] =	vst v63  }
0x18: {  	_ = 	snop  }
0x19: {  	[tilespmem:s3], [sflag:$0x3] =	stream.linear.gather [hbm4b:s1+s3], $0x380, $0x38;
	[tilespmem:$0xCD80] =	vst v63  }
0x1a: {  	_ =	swait.ge [sflag:s14], $0x380  }
0x1b: {  	[sflag:s14] =	ssyncset.done $0x0  }
0x1c: {  	p0 =	por $0x1, $0x1;
	s19 =	simm.s32 $0x0;
	[sflag:s14] =	ssyncadd.s32 $0xFFFFFC80  }
.LBB2_2:
0x1d: {  	_ =	swait.ge [sflag:s15], $0x6400;
	s19 =	sshra.s32 s19, $0x2  }
0x1e: {  	[sflag:s15] =	ssyncset.done $0x0;
	s22 =	sadd.s32 $0xCB80, s19  }
0x1f: {  	s20 =	simm.s32 $0x0;
	s21 =	simm.s32 $0x780;
	[sflag:s15] =	ssyncadd.s32 $0xFFFF9C00;
	v0 =	vmov s22  }
.LBB2_3:
0x20: {  	v1 =	vld [tilespmem:s21+$0x0]  }
0x21: {  	v2 =	vld [tilespmem:s21+$0x80]  }
0x22: {  	v3 =	vld [tilespmem:s21+$0x100]  }
0x23: {  	v4 =	vld [tilespmem:s21+$0x180]  }
0x24: {  	v5 =	vld [tilespmem:s21+$0x200]  }
0x25: {  	v6 =	vld [tilespmem:s21+$0x280]  }
0x26: {  	v11 =	vld [tilespmem:s21+$0x300]  }
0x27: {  	v16 =	vld [tilespmem:s21+$0x380]  }
0x28: {  	v12 =	vld [tilespmem:s21+$0xFFFFFC00]  }
0x29: {  	v13 =	vld [tilespmem:s21+$0xFFFFFC80]  }
0x2a: {  	v14 =	vld [tilespmem:s21+$0xFFFFFD00]  }
0x2b: {  	v15 =	vld [tilespmem:s21+$0xFFFFFD80]  }
0x2c: {  	v17 =	vld [tilespmem:s21+$0xFFFFFE00]  }
0x2d: {  	v18 =	vld [tilespmem:s21+$0xFFFFFE80]  }
0x2e: {  	v19 =	vld [tilespmem:s21+$0xFFFFFF00]  }
0x2f: {  	v20 =	vld [tilespmem:s21+$0xFFFFFF80]  }
0x30: {  	v8 =	vld.idx.msk [tilespmem:v1+s3+$0x0], $0xffff  }
0x31: {  	v10 =	vld.idx.msk [tilespmem:v2+s3+$0x0], $0xffff  }
0x32: {  	v7 =	vld.idx.msk [tilespmem:v3+s3+$0x0], $0xffff  }
0x33: {  	v9 =	vld.idx.msk [tilespmem:v4+s3+$0x0], $0xffff  }
0x34: {  	v5 =	vld.idx.msk [tilespmem:v5+s3+$0x0], $0xffff  }
0x35: {  	v6 =	vld.idx.msk [tilespmem:v6+s3+$0x0], $0xffff  }
0x36: {  	v2 =	vld.idx.msk [tilespmem:v12+s3+$0x0], $0xffff  }
0x37: {  	v3 =	vld.idx.msk [tilespmem:v13+s3+$0x0], $0xffff  }
0x38: {  	v4 =	vld.idx.msk [tilespmem:v14+s3+$0x0], $0xffff  }
0x39: {  	v21 =	vld.idx.msk [tilespmem:v15+s3+$0x0], $0xffff  }
0x3a: {  	v12 =	vld.idx.msk [tilespmem:v17+s3+$0x0], $0xffff  }
0x3b: {  	v14 =	vld.idx.msk [tilespmem:v18+s3+$0x0], $0xffff  }
0x3c: {  	v1 =	vimm.f32 $0.0e+00;
	v13 =	vld.idx.msk [tilespmem:v19+s3+$0x0], $0xffff  }
0x3d: {  	v15 =	vld.idx.msk [tilespmem:v20+s3+$0x0], $0xffff;
	v17 =	vadd.f32 v2, v1;
	v18 =	vadd.f32 v3, v1  }
0x3e: {  	v11 =	vld.idx.msk [tilespmem:v11+s3+$0x0], $0xffff;
	v19 =	vadd.f32 v4, v1;
	v20 =	vadd.f32 v21, v1  }
0x3f: {  	s22 =	sshll.u32 s20, $0x4;
	s23 =	simm.s32 $0x0;
	s24 =	sadd.s32 $0x800, s21;
	v16 =	vld.idx.msk [tilespmem:v16+s3+$0x0], $0xffff;
	v4 =	vimm.f32 $0.0e+00;
	v2 =	vimm.f32 $0.0e+00;
	v3 =	vimm.f32 $0.0e+00  }
.LBB2_4:
0x40: {  	v21 =	vld [tilespmem:s24+$0x0];
	v17 =	vadd.f32 v8, v17;
	v18 =	vadd.f32 v10, v18  }
0x41: {  	v10 =	vld [tilespmem:s24+$0x80];
	v19 =	vadd.f32 v7, v19;
	v20 =	vadd.f32 v9, v20  }
0x42: {  	v1 =	vadd.f32 v12, v1;
	v4 =	vadd.f32 v14, v4;
	v7 =	vld [tilespmem:s24+$0x100]  }
0x43: {  	v2 =	vadd.f32 v13, v2;
	v3 =	vadd.f32 v15, v3;
	v9 =	vld [tilespmem:s24+$0x180]  }
0x44: {  	v1 =	vadd.f32 v5, v1;
	v4 =	vadd.f32 v6, v4;
	v12 =	vld [tilespmem:s24+$0x200]  }
0x45: {  	v2 =	vadd.f32 v11, v2;
	v3 =	vadd.f32 v16, v3;
	v6 =	vld [tilespmem:s24+$0x280]  }
0x46: {  	v11 =	vld [tilespmem:s24+$0x300]  }
0x47: {  	v16 =	vld [tilespmem:s24+$0x380]  }
0x48: {  	v13 =	vld [tilespmem:s24+$0xFFFFFC00]  }
0x49: {  	v14 =	vld [tilespmem:s24+$0xFFFFFC80]  }
0x4a: {  	v15 =	vld [tilespmem:s24+$0xFFFFFD00]  }
0x4b: {  	v22 =	vld [tilespmem:s24+$0xFFFFFD80]  }
0x4c: {  	v23 =	vld [tilespmem:s24+$0xFFFFFE00]  }
0x4d: {  	v24 =	vld [tilespmem:s24+$0xFFFFFE80]  }
0x4e: {  	v25 =	vld [tilespmem:s24+$0xFFFFFF00]  }
0x4f: {  	v26 =	vld [tilespmem:s24+$0xFFFFFF80]  }
0x50: {  	v8 =	vld.idx.msk [tilespmem:v21+s3+$0x0], $0xffff  }
0x51: {  	v10 =	vld.idx.msk [tilespmem:v10+s3+$0x0], $0xffff  }
0x52: {  	v7 =	vld.idx.msk [tilespmem:v7+s3+$0x0], $0xffff  }
0x53: {  	v9 =	vld.idx.msk [tilespmem:v9+s3+$0x0], $0xffff  }
0x54: {  	v5 =	vld.idx.msk [tilespmem:v12+s3+$0x0], $0xffff  }
0x55: {  	s23 =	sadd.s32 $0x10, s23;
	v6 =	vld.idx.msk [tilespmem:v6+s3+$0x0], $0xffff  }
0x56: {  	p1 =	slt.u32 s23, $0xB0;
	v21 =	vld.idx.msk [tilespmem:v13+s3+$0x0], $0xffff  }
0x57: {  	v27 =	vld.idx.msk [tilespmem:v14+s3+$0x0], $0xffff  }
0x58: {  	v28 =	vld.idx.msk [tilespmem:v15+s3+$0x0], $0xffff  }
0x59: {  	v22 =	vld.idx.msk [tilespmem:v22+s3+$0x0], $0xffff  }
0x5a: {  	v12 =	vld.idx.msk [tilespmem:v23+s3+$0x0], $0xffff  }
.Ltmp2:
0x5b: {  	v14 =	vld.idx.msk [tilespmem:v24+s3+$0x0], $0xffff;
	(pc) =	sbr.rel @p1 .LBB2_4-.Ltmp2, $4  }
0x5c: {  	v13 =	vld.idx.msk [tilespmem:v25+s3+$0x0], $0xffff  }
0x5d: {  	v15 =	vld.idx.msk [tilespmem:v26+s3+$0x0], $0xffff  }
0x5e: {  	v17 =	vadd.f32 v21, v17;
	v18 =	vadd.f32 v27, v18;
	v11 =	vld.idx.msk [tilespmem:v11+s3+$0x0], $0xffff  }
0x5f: {  	s24 =	sadd.s32 $0x800, s24;
	v19 =	vadd.f32 v28, v19;
	v20 =	vadd.f32 v22, v20;
	v16 =	vld.idx.msk [tilespmem:v16+s3+$0x0], $0xffff  }
0x60: {  	v21 =	vld [tilespmem:s22+$0x6380]  }
0x61: {  	v22 =	vld [tilespmem:s22+$0x6400]  }
0x62: {  	v23 =	vld [tilespmem:s22+$0x6480]  }
0x63: {  	v24 =	vld [tilespmem:s22+$0x6500]  }
0x64: {  	v25 =	vld [tilespmem:s22+$0x6580]  }
0x65: {  	v26 =	vld [tilespmem:s22+$0x6600]  }
0x66: {  	v27 =	vld [tilespmem:s22+$0x6680]  }
0x67: {  	v28 =	vld [tilespmem:s22+$0x6700]  }
0x68: {  	v21 =	vld.idx.msk [tilespmem:v21+s3+$0x0], $0xffff  }
0x69: {  	v22 =	vld.idx.msk [tilespmem:v22+s3+$0x0], $0xffff  }
0x6a: {  	v23 =	vld.idx.msk [tilespmem:v23+s3+$0x0], $0xffff  }
0x6b: {  	v8 =	vadd.f32 v8, v17;
	v10 =	vadd.f32 v10, v18;
	v55 =	vld.idx.msk [tilespmem:v24+s3+$0x0], $0xffff  }
0x6c: {  	v1 =	vadd.f32 v12, v1;
	v4 =	vadd.f32 v14, v4;
	v56 =	vld.idx.msk [tilespmem:v25+s3+$0x0], $0xffff  }
0x6d: {  	v7 =	vadd.f32 v7, v19;
	v9 =	vadd.f32 v9, v20;
	v57 =	vld.idx.msk [tilespmem:v26+s3+$0x0], $0xffff  }
0x6e: {  	v2 =	vadd.f32 v13, v2;
	v3 =	vadd.f32 v15, v3;
	v58 =	vld.idx.msk [tilespmem:v27+s3+$0x0], $0xffff  }
0x6f: {  	v1 =	vadd.f32 v5, v1;
	v4 =	vadd.f32 v6, v4;
	v59 =	vld.idx.msk [tilespmem:v28+s3+$0x0], $0xffff  }
0x70: {  	v2 =	vadd.f32 v11, v2;
	v3 =	vadd.f32 v16, v3  }
0x71: {  	v60 =	vadd.f32 v21, v8;
	v61 =	vadd.f32 v22, v10  }
0x72: {  	v7 =	vadd.f32 v23, v7;
	v9 =	vadd.f32 v55, v9  }
0x73: {  	v1 =	vadd.f32 v56, v1;
	v4 =	vadd.f32 v57, v4  }
0x74: {  	v2 =	vadd.f32 v58, v2;
	v3 =	vadd.f32 v59, v3  }
0x75: {  	v62 =	vadd.f32 v61, v60;
	v63 =	vadd.f32 v9, v7  }
0x76: {  	s20 =	sadd.s32 $0x1, s20;
	v1 =	vadd.f32 v4, v1;
	v2 =	vadd.f32 v3, v2  }
0x77: {  	p1 =	sne.s32 s20, $0x8  }
.Ltmp3:
0x78: {  	v3 =	vadd.f32 v63, v62;
	v1 =	vadd.f32 v2, v1;
	(pc) =	sbr.rel @p1 .LBB2_3-.Ltmp3, $3  }
0x79: {  	_ = 	snop  }
0x7a: {  	v1 =	vadd.f32 v1, v3;
	_ =	sdelay $0x1  }
0x7b: {  	s21 =	sadd.s32 $0x10, s21;
	[tilespmem:v0+s22+$0x0 ss:$0x1] =	vst.idx.msk $0xffff, v1  }
0x7c: {  	s20 =	simm.s32 @p0 $0x400;
	s21 =	simm.s32 @p0 $0x20000;
	s22 =	simm.s32 @p0 $0x380  }
0x7d: {  	[tilespmem:s22], [sflag:$0x1] =	stream.strided.gather @p0 [hbm4b:s6+s20], $0x6400, s21, s20, $0x38;
	[tilespmem:$0xCD80] =	vst v63  }
0x7e: {  	_ =	swait.ge [sflag:s16], $0x6400  }
0x7f: {  	s31 =	sadd.s32 $0xCC00, s19;
	[sflag:s16] =	ssyncset.done $0x0  }
0x80: {  	s19 =	simm.s32 $0x0;
	s20 =	simm.s32 $0x6F00;
	v0 =	vmov s31;
	[sflag:s16] =	ssyncadd.s32 $0xFFFF9C00  }
.LBB2_7:
0x81: {  	v1 =	vld [tilespmem:s20+$0xFFFFFC80]  }
0x82: {  	v2 =	vld [tilespmem:s20+$0xFFFFFD00]  }
0x83: {  	v3 =	vld [tilespmem:s20+$0xFFFFFD80]  }
0x84: {  	v4 =	vld [tilespmem:s20+$0xFFFFFE00]  }
0x85: {  	v5 =	vld [tilespmem:s20+$0xFFFFFE80]  }
0x86: {  	v6 =	vld [tilespmem:s20+$0xFFFFFF00]  }
0x87: {  	v11 =	vld [tilespmem:s20+$0xFFFFFF80]  }
0x88: {  	v16 =	vld [tilespmem:s20+$0x0]  }
0x89: {  	v12 =	vld [tilespmem:s20+$0xFFFFF880]  }
0x8a: {  	v13 =	vld [tilespmem:s20+$0xFFFFF900]  }
0x8b: {  	v14 =	vld [tilespmem:s20+$0xFFFFF980]  }
0x8c: {  	v15 =	vld [tilespmem:s20+$0xFFFFFA00]  }
0x8d: {  	v17 =	vld [tilespmem:s20+$0xFFFFFA80]  }
0x8e: {  	v18 =	vld [tilespmem:s20+$0xFFFFFB00]  }
0x8f: {  	v19 =	vld [tilespmem:s20+$0xFFFFFB80]  }
0x90: {  	v20 =	vld [tilespmem:s20+$0xFFFFFC00]  }
0x91: {  	v8 =	vld.idx.msk [tilespmem:v1+s3+$0x0], $0xffff  }
0x92: {  	v10 =	vld.idx.msk [tilespmem:v2+s3+$0x0], $0xffff  }
0x93: {  	v7 =	vld.idx.msk [tilespmem:v3+s3+$0x0], $0xffff  }
0x94: {  	v9 =	vld.idx.msk [tilespmem:v4+s3+$0x0], $0xffff  }
0x95: {  	v5 =	vld.idx.msk [tilespmem:v5+s3+$0x0], $0xffff  }
0x96: {  	v6 =	vld.idx.msk [tilespmem:v6+s3+$0x0], $0xffff  }
0x97: {  	v2 =	vld.idx.msk [tilespmem:v12+s3+$0x0], $0xffff  }
0x98: {  	v3 =	vld.idx.msk [tilespmem:v13+s3+$0x0], $0xffff  }
0x99: {  	v4 =	vld.idx.msk [tilespmem:v14+s3+$0x0], $0xffff  }
0x9a: {  	v21 =	vld.idx.msk [tilespmem:v15+s3+$0x0], $0xffff  }
0x9b: {  	v12 =	vld.idx.msk [tilespmem:v17+s3+$0x0], $0xffff  }
0x9c: {  	v14 =	vld.idx.msk [tilespmem:v18+s3+$0x0], $0xffff  }
0x9d: {  	v1 =	vimm.f32 $0.0e+00;
	v13 =	vld.idx.msk [tilespmem:v19+s3+$0x0], $0xffff  }
0x9e: {  	v15 =	vld.idx.msk [tilespmem:v20+s3+$0x0], $0xffff;
	v17 =	vadd.f32 v2, v1;
	v18 =	vadd.f32 v3, v1  }
0x9f: {  	v11 =	vld.idx.msk [tilespmem:v11+s3+$0x0], $0xffff;
	v19 =	vadd.f32 v4, v1;
	v20 =	vadd.f32 v21, v1  }
0xa0: {  	s21 =	sshll.u32 s19, $0x4;
	s22 =	simm.s32 $0x0;
	s23 =	sadd.s32 $0x800, s20;
	v16 =	vld.idx.msk [tilespmem:v16+s3+$0x0], $0xffff;
	v4 =	vimm.f32 $0.0e+00;
	v2 =	vimm.f32 $0.0e+00;
	v3 =	vimm.f32 $0.0e+00  }
.LBB2_8:
0xa1: {  	v21 =	vld [tilespmem:s23+$0xFFFFFC80];
	v17 =	vadd.f32 v8, v17;
	v18 =	vadd.f32 v10, v18  }
0xa2: {  	v10 =	vld [tilespmem:s23+$0xFFFFFD00];
	v19 =	vadd.f32 v7, v19;
	v20 =	vadd.f32 v9, v20  }
0xa3: {  	v1 =	vadd.f32 v12, v1;
	v4 =	vadd.f32 v14, v4;
	v7 =	vld [tilespmem:s23+$0xFFFFFD80]  }
0xa4: {  	v2 =	vadd.f32 v13, v2;
	v3 =	vadd.f32 v15, v3;
	v9 =	vld [tilespmem:s23+$0xFFFFFE00]  }
0xa5: {  	v1 =	vadd.f32 v5, v1;
	v4 =	vadd.f32 v6, v4;
	v12 =	vld [tilespmem:s23+$0xFFFFFE80]  }
0xa6: {  	v2 =	vadd.f32 v11, v2;
	v3 =	vadd.f32 v16, v3;
	v6 =	vld [tilespmem:s23+$0xFFFFFF00]  }
0xa7: {  	v11 =	vld [tilespmem:s23+$0xFFFFFF80]  }
0xa8: {  	v16 =	vld [tilespmem:s23+$0x0]  }
0xa9: {  	v13 =	vld [tilespmem:s23+$0xFFFFF880]  }
0xaa: {  	v14 =	vld [tilespmem:s23+$0xFFFFF900]  }
0xab: {  	v15 =	vld [tilespmem:s23+$0xFFFFF980]  }
0xac: {  	v22 =	vld [tilespmem:s23+$0xFFFFFA00]  }
0xad: {  	v23 =	vld [tilespmem:s23+$0xFFFFFA80]  }
0xae: {  	v24 =	vld [tilespmem:s23+$0xFFFFFB00]  }
0xaf: {  	v25 =	vld [tilespmem:s23+$0xFFFFFB80]  }
0xb0: {  	v26 =	vld [tilespmem:s23+$0xFFFFFC00]  }
0xb1: {  	v8 =	vld.idx.msk [tilespmem:v21+s3+$0x0], $0xffff  }
0xb2: {  	v10 =	vld.idx.msk [tilespmem:v10+s3+$0x0], $0xffff  }
0xb3: {  	v7 =	vld.idx.msk [tilespmem:v7+s3+$0x0], $0xffff  }
0xb4: {  	v9 =	vld.idx.msk [tilespmem:v9+s3+$0x0], $0xffff  }
0xb5: {  	v5 =	vld.idx.msk [tilespmem:v12+s3+$0x0], $0xffff  }
0xb6: {  	s22 =	sadd.s32 $0x10, s22;
	v6 =	vld.idx.msk [tilespmem:v6+s3+$0x0], $0xffff  }
0xb7: {  	p1 =	slt.u32 s22, $0xB0;
	v21 =	vld.idx.msk [tilespmem:v13+s3+$0x0], $0xffff  }
0xb8: {  	v27 =	vld.idx.msk [tilespmem:v14+s3+$0x0], $0xffff  }
0xb9: {  	v28 =	vld.idx.msk [tilespmem:v15+s3+$0x0], $0xffff  }
0xba: {  	v22 =	vld.idx.msk [tilespmem:v22+s3+$0x0], $0xffff  }
0xbb: {  	v12 =	vld.idx.msk [tilespmem:v23+s3+$0x0], $0xffff  }
.Ltmp4:
0xbc: {  	v14 =	vld.idx.msk [tilespmem:v24+s3+$0x0], $0xffff;
	(pc) =	sbr.rel @p1 .LBB2_8-.Ltmp4, $4  }
0xbd: {  	v13 =	vld.idx.msk [tilespmem:v25+s3+$0x0], $0xffff  }
0xbe: {  	v15 =	vld.idx.msk [tilespmem:v26+s3+$0x0], $0xffff  }
0xbf: {  	v17 =	vadd.f32 v21, v17;
	v18 =	vadd.f32 v27, v18;
	v11 =	vld.idx.msk [tilespmem:v11+s3+$0x0], $0xffff  }
0xc0: {  	s23 =	sadd.s32 $0x800, s23;
	v19 =	vadd.f32 v28, v19;
	v20 =	vadd.f32 v22, v20;
	v16 =	vld.idx.msk [tilespmem:v16+s3+$0x0], $0xffff  }
0xc1: {  	v21 =	vld [tilespmem:s21+$0xC780]  }
0xc2: {  	v22 =	vld [tilespmem:s21+$0xC800]  }
0xc3: {  	v23 =	vld [tilespmem:s21+$0xC880]  }
0xc4: {  	v24 =	vld [tilespmem:s21+$0xC900]  }
0xc5: {  	v25 =	vld [tilespmem:s21+$0xC980]  }
0xc6: {  	v26 =	vld [tilespmem:s21+$0xCA00]  }
0xc7: {  	v27 =	vld [tilespmem:s21+$0xCA80]  }
0xc8: {  	v28 =	vld [tilespmem:s21+$0xCB00]  }
0xc9: {  	v21 =	vld.idx.msk [tilespmem:v21+s3+$0x0], $0xffff  }
0xca: {  	v22 =	vld.idx.msk [tilespmem:v22+s3+$0x0], $0xffff  }
0xcb: {  	v23 =	vld.idx.msk [tilespmem:v23+s3+$0x0], $0xffff  }
0xcc: {  	v8 =	vadd.f32 v8, v17;
	v10 =	vadd.f32 v10, v18;
	v55 =	vld.idx.msk [tilespmem:v24+s3+$0x0], $0xffff  }
0xcd: {  	v1 =	vadd.f32 v12, v1;
	v4 =	vadd.f32 v14, v4;
	v56 =	vld.idx.msk [tilespmem:v25+s3+$0x0], $0xffff  }
0xce: {  	v7 =	vadd.f32 v7, v19;
	v9 =	vadd.f32 v9, v20;
	v57 =	vld.idx.msk [tilespmem:v26+s3+$0x0], $0xffff  }
0xcf: {  	v2 =	vadd.f32 v13, v2;
	v3 =	vadd.f32 v15, v3;
	v58 =	vld.idx.msk [tilespmem:v27+s3+$0x0], $0xffff  }
0xd0: {  	v1 =	vadd.f32 v5, v1;
	v4 =	vadd.f32 v6, v4;
	v59 =	vld.idx.msk [tilespmem:v28+s3+$0x0], $0xffff  }
0xd1: {  	v2 =	vadd.f32 v11, v2;
	v3 =	vadd.f32 v16, v3  }
0xd2: {  	v60 =	vadd.f32 v21, v8;
	v61 =	vadd.f32 v22, v10  }
0xd3: {  	v7 =	vadd.f32 v23, v7;
	v9 =	vadd.f32 v55, v9  }
0xd4: {  	v1 =	vadd.f32 v56, v1;
	v4 =	vadd.f32 v57, v4  }
0xd5: {  	v2 =	vadd.f32 v58, v2;
	v3 =	vadd.f32 v59, v3  }
0xd6: {  	v62 =	vadd.f32 v61, v60;
	v63 =	vadd.f32 v9, v7  }
0xd7: {  	s19 =	sadd.s32 $0x1, s19;
	v1 =	vadd.f32 v4, v1;
	v2 =	vadd.f32 v3, v2  }
0xd8: {  	p1 =	sne.s32 s19, $0x8  }
.Ltmp5:
0xd9: {  	v3 =	vadd.f32 v63, v62;
	v1 =	vadd.f32 v2, v1;
	(pc) =	sbr.rel @p1 .LBB2_7-.Ltmp5, $3  }
0xda: {  	_ = 	snop  }
0xdb: {  	v1 =	vadd.f32 v1, v3;
	_ =	sdelay $0x1  }
0xdc: {  	s20 =	sadd.s32 $0x10, s20;
	[tilespmem:v0+s21+$0x0 ss:$0x1] =	vst.idx.msk $0xffff, v1  }
.Ltmp6:
0xdd: {  	(pc) =	sbr.rel @!p0 .LBB2_12-.Ltmp6, $1  }
0xde: {  	_ =	sdelay $0x3  }
.Ltmp7:
0xdf: {  	(pc) =	sbr.rel .LBB2_2-.Ltmp7, $3  }
0xe0: {  	_ =	sdelay $0x1  }
0xe1: {  	s19 =	simm.s32 $0x400;
	p0 =	por $0x0, $0x0  }
0xe2: {  	[tilespmem:s13], [sflag:$0x2] =	stream.strided.gather [hbm4b:s7+s19], $0x6400, s11, s19, $0x38;
	[tilespmem:$0xCD80] =	vst v63  }
.LBB2_13:
0xe3: {  	_ =	sfence.sel $0x180000  }
0xe4: {  	[bflag:$0x0] =	sbarrier.arrive $0xFFFF  }
0xe5: {  	p0 =	sne.s32 s2, $0x0;
	_ =	strace $0x90000047  }
0xe6: {  	s0 =	sadd.s32 @!p0 $0x100000, s0;
	[bflag:$0x2] =	sbarrier.arrive $0xFFFF  }
0xe7: {  	[sflag:s0] =	ssyncadd.tile.s32 @!p0 $0x1;
	_ =	shalt  }
.Lfunc_end2:
_tile_overlayer_lowered:
.L_overlay_start_2:
0xe8: {  	(tag) =	ssettag $0x2  }
0xe9: {  	s0 =	rddreg [dreg:$0x0];
	s2 =	stileid.u32  }
0xea: {  	s1 =	rddreg [dreg:$0x1];
	p0 =	sne.s32 s2, $0x0  }
0xeb: {  	s3 =	rddreg [dreg:$0x2];
	[bflag:$0x3] =	sbarrier.arrive $0xFFFF;
	s2 =	simm.s32 @!p0 $0x1C03  }
0xec: {  	[timem:s3], [sflag:s2] =	dma.local @!p0 [hbm:s0], s1  }
0xed: {  	s0 =	simm.s32 @!p0 $0x3  }
0xee: {  	_ =	swait.ge @!p0 [sflag:s0], s1  }
0xef: {  	s1 =	ssub.s32 @!p0 $0x0, s1;
	[sflag:s0] =	ssyncset.done @!p0 $0x0  }
0xf0: {  	[sflag:s0] =	ssyncadd.s32 @!p0 s1  }
0xf1: {  	[bflag:$0x3] =	sbarrier.arrive $0xFFFF  }
0xf2: {  	_ =	shalt  }

</sc_bundles>
